<compile_context>
chip_gen: v7x
topology: tpu7x:2x2x1
jax: 0.10.2.dev20260603
libtpu: 0.0.44.dev20260713+nightly
codegen_flags: <defaults>
</compile_context>

<pallas_src>
import jax
import jax.numpy as jnp
from jax import lax
from jax.experimental import pallas as pl
from jax.experimental.pallas import tpu as pltpu
from jax.experimental.pallas import tpu_sc as plsc

N = 4096
L = N * (N - 1) // 2
NW = 32
ROWS_PER_W = N // NW
FRONT = 16
S = N + 16
LANES = 16
NCHUNK = N // LANES


def _body(in_hbm, out_hbm, w_ref, r_ref):
    wid = lax.axis_index("s") * 2 + lax.axis_index("c")
    zeros16 = jnp.zeros((LANES,), jnp.float32)
    iota16 = lax.iota(jnp.int32, LANES)

    def zinit(c, carry):
        r_ref[pl.ds(c * LANES, LANES)] = zeros16
        return carry

    lax.fori_loop(0, (FRONT + N) // LANES, zinit, 0)

    def row(t, carry):
        i = wid + NW * (ROWS_PER_W - 1 - t)
        off = i * N - (i * (i + 1)) // 2
        src = jnp.minimum(off, L - S)
        src = (src // 8) * 8
        d = off - src
        pltpu.sync_copy(in_hbm.at[pl.ds(src, S)], w_ref.at[pl.ds(0, S)])

        cb = (i + 1) // LANES
        shift = d - (i + 1)

        pos0 = cb * LANES + iota16
        idx0 = jnp.maximum(pos0 + shift, 0)
        v0 = plsc.load_gather(w_ref, [idx0])
        v0 = jnp.where(pos0 > i, v0, 0.0)
        r_ref[pl.ds(FRONT + cb * LANES, LANES)] = v0

        def chunk(c, carry2):
            idx = c * LANES + iota16 + shift
            r_ref[pl.ds(FRONT + c * LANES, LANES)] = plsc.load_gather(
                w_ref, [idx])
            return carry2

        lax.fori_loop(cb + 1, NCHUNK, chunk, 0)

        pltpu.sync_copy(r_ref.at[pl.ds(FRONT, N)], out_hbm.at[pl.ds(i * N, N)])
        return carry

    lax.fori_loop(0, ROWS_PER_W, row, 0)


def kernel(compressed_matrix):
    run = pl.kernel(
        _body,
        out_type=jax.ShapeDtypeStruct((N * N,), jnp.float32),
        mesh=plsc.VectorSubcoreMesh(core_axis_name="c", subcore_axis_name="s"),
        compiler_params=pltpu.CompilerParams(needs_layout_passes=False),
        scratch_types=[
            pltpu.VMEM((S,), jnp.float32),
            pltpu.VMEM((FRONT + N,), jnp.float32),
        ],
    )
    return run(compressed_matrix).reshape(N, N)

# --- scband reference (transcript-rebuilt; emitter-appended) ---
"""Pipeline reference for scband-uncompress-transform-layer-56736517980425 (READ-ONLY COPY).

The authoritative reference and input builder live on the scoring server;
editing this copy changes nothing except your own understanding.
"""

import jax, jax.numpy as jnp
import numpy as np
import math


def setup_inputs(seed: int = 0) -> dict:
    key = jax.random.key(seed)
    n = 4096
    L = n * (n - 1) // 2  # 8386560
    compressed_matrix = jax.random.normal(key, (L,), dtype=jnp.float32)
    return {"compressed_matrix": compressed_matrix}


def reference(compressed_matrix):
    L = compressed_matrix.shape[0]
    n = round(math.sqrt(2 * L)) + 1
    # torch.triu_indices(n, n, offset=1) enumerates upper-triangle indices
    # row-major, identical ordering to np.triu_indices(n, k=1).
    rows, cols = np.triu_indices(n, k=1)
    rows = jnp.asarray(rows, dtype=jnp.int32)
    cols = jnp.asarray(cols, dtype=jnp.int32)
    # sparse_coo_tensor(ind, vals, [n, n, 1]).to_dense() then reshape(n, n)
    # == scatter-overwrite of vals into a dense zeros(n, n) at (rows, cols).
    out = jnp.zeros((n, n), dtype=compressed_matrix.dtype).at[rows, cols].set(compressed_matrix)
    return out

if __name__ == "__main__":
    import jax
    _d = setup_inputs()
    print(jax.jit(kernel)(*tuple(_d.values())))

</pallas_src>

<mosaic_0001>
#map = affine_map<(d0, d1) -> (0)>
module attributes {stable_mosaic.version = 14 : i64} {
  func.func @_body(%arg0: i32, %arg1: i32, %arg2: memref<8386560xf32, #tpu.memory_space<hbm>>, %arg3: memref<16777216xf32, #tpu.memory_space<hbm>>, %arg4: memref<4112xf32, #tpu.memory_space<vmem>>, %arg5: memref<4112xf32, #tpu.memory_space<vmem>>) attributes {dimension_semantics = [#tpu.dimension_semantics<core_parallel>, #tpu.dimension_semantics<subcore_parallel>], iteration_bounds = array<i64: 2, 16>, scalar_prefetch = 0 : i64, scratch_operands = 2 : i64, tpu.core_type = #tpu.core_type<sc_vector_subcore>, window_params = [{transform_indices = #map}, {transform_indices = #map}]} {
    %mul3A = arith.constant 2 : i32
    %mul3A_0 = arith.muli %arg1, %mul3A : i32
    %add3A = arith.addi %mul3A_0, %arg0 : i32
    %broadcast_in_dim3A = arith.constant 0.000000e+00 : f32
    %broadcast_in_dim3A_1 = vector.broadcast %broadcast_in_dim3A : f32 to vector<16xf32>
    %iota3A = tpu.iota {dimensions = array<i32: 0>} : vector<16xi32>
    %scan3A = arith.constant 0 : i32
    %scan3A_2 = arith.constant 0 : i32
    %scan3A_3 = arith.constant 257 : i32
    %scan3A_4 = arith.addi %scan3A_2, %scan3A_3 : i32
    %scan3A_5 = arith.constant 1 : i32
    scf.for %scan3A_13 = %scan3A_2 to %scan3A_4 step %scan3A_5  : i32 {
      %mul3A_14 = arith.constant 16 : i32
      %mul3A_15 = arith.muli %scan3A_13, %mul3A_14 : i32
      %swap3A = arith.index_cast %mul3A_15 : i32 to index
      %swap3A_16 = tpu.vector_load %arg5[%swap3A] {strides = array<i32>} : memref<4112xf32, #tpu.memory_space<vmem>>, vector<16xf32>,
      tpu.vector_store %arg5[%swap3A], %broadcast_in_dim3A_1 {strides = array<i32>} : memref<4112xf32, #tpu.memory_space<vmem>>, vector<16xf32>,
    }
    %scan3A_6 = arith.constant 257 : i32
    %scan3A_7 = arith.constant 0 : i32
    %scan3A_8 = arith.constant 0 : i32
    %scan3A_9 = arith.constant 128 : i32
    %scan3A_10 = arith.addi %scan3A_8, %scan3A_9 : i32
    %scan3A_11 = arith.constant 1 : i32
    scf.for %scan3A_13 = %scan3A_8 to %scan3A_10 step %scan3A_11  : i32 {
      %sub3A = arith.constant 127 : i32
      %sub3A_14 = arith.subi %sub3A, %scan3A_13 : i32
      %mul3A_15 = arith.constant 32 : i32
      %mul3A_16 = arith.muli %mul3A_15, %sub3A_14 : i32
      %add3A_17 = arith.addi %add3A, %mul3A_16 : i32
      %mul3A_18 = arith.constant 4096 : i32
      %mul3A_19 = arith.muli %add3A_17, %mul3A_18 : i32
      %add3A_20 = arith.constant 1 : i32
      %add3A_21 = arith.addi %add3A_17, %add3A_20 : i32
      %mul3A_22 = arith.muli %add3A_17, %add3A_21 : i32
      %jit3A = arith.constant 2 : i32
      %div3A = arith.divsi %mul3A_22, %jit3A : i32
      %sign3A = arith.constant 0 : i32
      %sign3A_23 = arith.cmpi sgt, %mul3A_22, %sign3A : i32
      %sign3A_24 = arith.extui %sign3A_23 : i1 to i32
      %sign3A_25 = arith.constant 0 : i32
      %sign3A_26 = arith.cmpi slt, %mul3A_22, %sign3A_25 : i32
      %sign3A_27 = arith.extui %sign3A_26 : i1 to i32
      %sign3A_28 = arith.subi %sign3A_24, %sign3A_27 : i32
      %sign3A_29 = arith.constant 0 : i32
      %sign3A_30 = arith.cmpi sgt, %jit3A, %sign3A_29 : i32
      %sign3A_31 = arith.extui %sign3A_30 : i1 to i32
      %sign3A_32 = arith.constant 0 : i32
      %sign3A_33 = arith.cmpi slt, %jit3A, %sign3A_32 : i32
      %sign3A_34 = arith.extui %sign3A_33 : i1 to i32
      %sign3A_35 = arith.subi %sign3A_31, %sign3A_34 : i32
      %ne3A = arith.cmpi ne, %sign3A_28, %sign3A_35 : i32
      %rem3A = arith.remsi %mul3A_22, %jit3A : i32
      %ne3A_36 = arith.constant 0 : i32
      %ne3A_37 = arith.cmpi ne, %rem3A, %ne3A_36 : i32
      %and3A = arith.andi %ne3A, %ne3A_37 : i1
      %sub3A_38 = arith.constant 1 : i32
      %sub3A_39 = arith.subi %div3A, %sub3A_38 : i32
      %select_n3A = arith.select %and3A, %sub3A_39, %div3A : i32
      %sub3A_40 = arith.subi %mul3A_19, %select_n3A : i32
      %min3A = arith.constant 8382448 : i32
      %min3A_41 = arith.minsi %sub3A_40, %min3A : i32
      %jit3A_42 = arith.constant 8 : i32
      %div3A_43 = arith.divsi %min3A_41, %jit3A_42 : i32
      %sign3A_44 = arith.constant 0 : i32
      %sign3A_45 = arith.cmpi sgt, %min3A_41, %sign3A_44 : i32
      %sign3A_46 = arith.extui %sign3A_45 : i1 to i32
      %sign3A_47 = arith.constant 0 : i32
      %sign3A_48 = arith.cmpi slt, %min3A_41, %sign3A_47 : i32
      %sign3A_49 = arith.extui %sign3A_48 : i1 to i32
      %sign3A_50 = arith.subi %sign3A_46, %sign3A_49 : i32
      %sign3A_51 = arith.constant 0 : i32
      %sign3A_52 = arith.cmpi sgt, %jit3A_42, %sign3A_51 : i32
      %sign3A_53 = arith.extui %sign3A_52 : i1 to i32
      %sign3A_54 = arith.constant 0 : i32
      %sign3A_55 = arith.cmpi slt, %jit3A_42, %sign3A_54 : i32
      %sign3A_56 = arith.extui %sign3A_55 : i1 to i32
      %sign3A_57 = arith.subi %sign3A_53, %sign3A_56 : i32
      %ne3A_58 = arith.cmpi ne, %sign3A_50, %sign3A_57 : i32
      %rem3A_59 = arith.remsi %min3A_41, %jit3A_42 : i32
      %ne3A_60 = arith.constant 0 : i32
      %ne3A_61 = arith.cmpi ne, %rem3A_59, %ne3A_60 : i32
      %and3A_62 = arith.andi %ne3A_58, %ne3A_61 : i1
      %sub3A_63 = arith.constant 1 : i32
      %sub3A_64 = arith.subi %div3A_43, %sub3A_63 : i32
      %select_n3A_65 = arith.select %and3A_62, %sub3A_64, %div3A_43 : i32
      %mul3A_66 = arith.constant 8 : i32
      %mul3A_67 = arith.muli %select_n3A_65, %mul3A_66 : i32
      %sub3A_68 = arith.subi %sub3A_40, %mul3A_67 : i32
      "tpu.region"() ({
        %run_scoped3A = tpu.sem_alloc : memref<!tpu.dma_semaphore, #tpu.memory_space<semaphore_mem>>
        %dma_start3A = arith.constant 0 : i32
        %dma_start3A_128 = tpu.memref_slice %arg4[%dma_start3A] : memref<4112xf32, #tpu.memory_space<vmem>> -> memref<4112xf32, #tpu.memory_space<vmem>>
        %dma_start3A_129 = tpu.memref_slice %arg2[%mul3A_67] : memref<8386560xf32, #tpu.memory_space<hbm>> -> memref<4112xf32, #tpu.memory_space<hbm>>
        %dma_start3A_130 = arith.constant 0 : i32
        %dma_start3A_131 = tpu.memref_slice %arg4[%dma_start3A_130] : memref<4112xf32, #tpu.memory_space<vmem>> -> memref<4112xf32, #tpu.memory_space<vmem>>
        %dma_start3A_132 = tpu.memref_slice %arg2[%mul3A_67] : memref<8386560xf32, #tpu.memory_space<hbm>> -> memref<4112xf32, #tpu.memory_space<hbm>>
        tpu.enqueue_dma source(%dma_start3A_132 : memref<4112xf32, #tpu.memory_space<hbm>>) target(%dma_start3A_131 : memref<4112xf32, #tpu.memory_space<vmem>>) target_semaphore(%run_scoped3A : memref<!tpu.dma_semaphore, #tpu.memory_space<semaphore_mem>>)
        %dma_wait3A = arith.constant 0 : i32
        %dma_wait3A_133 = tpu.memref_slice %arg4[%dma_wait3A] : memref<4112xf32, #tpu.memory_space<vmem>> -> memref<4112xf32, #tpu.memory_space<vmem>>
        %dma_wait3A_134 = tpu.memref_slice %arg2[%mul3A_67] : memref<8386560xf32, #tpu.memory_space<hbm>> -> memref<4112xf32, #tpu.memory_space<hbm>>
        %dma_wait3A_135 = arith.constant 0 : i32
        %dma_wait3A_136 = tpu.memref_slice %arg4[%dma_wait3A_135] : memref<4112xf32, #tpu.memory_space<vmem>> -> memref<4112xf32, #tpu.memory_space<vmem>>
        %dma_wait3A_137 = tpu.memref_slice %arg2[%mul3A_67] : memref<8386560xf32, #tpu.memory_space<hbm>> -> memref<4112xf32, #tpu.memory_space<hbm>>
        tpu.wait_dma2 semaphore(%run_scoped3A : memref<!tpu.dma_semaphore, #tpu.memory_space<semaphore_mem>>) src(%dma_wait3A_137 : memref<4112xf32, #tpu.memory_space<hbm>>) dst(%dma_wait3A_136 : memref<4112xf32, #tpu.memory_space<vmem>>)
        tpu.yield
      }) : () -> ()
      %add3A_69 = arith.constant 1 : i32
      %add3A_70 = arith.addi %add3A_17, %add3A_69 : i32
      %jit3A_71 = arith.constant 16 : i32
      %div3A_72 = arith.divsi %add3A_70, %jit3A_71 : i32
      %sign3A_73 = arith.constant 0 : i32
      %sign3A_74 = arith.cmpi sgt, %add3A_70, %sign3A_73 : i32
      %sign3A_75 = arith.extui %sign3A_74 : i1 to i32
      %sign3A_76 = arith.constant 0 : i32
      %sign3A_77 = arith.cmpi slt, %add3A_70, %sign3A_76 : i32
      %sign3A_78 = arith.extui %sign3A_77 : i1 to i32
      %sign3A_79 = arith.subi %sign3A_75, %sign3A_78 : i32
      %sign3A_80 = arith.constant 0 : i32
      %sign3A_81 = arith.cmpi sgt, %jit3A_71, %sign3A_80 : i32
      %sign3A_82 = arith.extui %sign3A_81 : i1 to i32
      %sign3A_83 = arith.constant 0 : i32
      %sign3A_84 = arith.cmpi slt, %jit3A_71, %sign3A_83 : i32
      %sign3A_85 = arith.extui %sign3A_84 : i1 to i32
      %sign3A_86 = arith.subi %sign3A_82, %sign3A_85 : i32
      %ne3A_87 = arith.cmpi ne, %sign3A_79, %sign3A_86 : i32
      %rem3A_88 = arith.remsi %add3A_70, %jit3A_71 : i32
      %ne3A_89 = arith.constant 0 : i32
      %ne3A_90 = arith.cmpi ne, %rem3A_88, %ne3A_89 : i32
      %and3A_91 = arith.andi %ne3A_87, %ne3A_90 : i1
      %sub3A_92 = arith.constant 1 : i32
      %sub3A_93 = arith.subi %div3A_72, %sub3A_92 : i32
      %select_n3A_94 = arith.select %and3A_91, %sub3A_93, %div3A_72 : i32
      %add3A_95 = arith.constant 1 : i32
      %add3A_96 = arith.addi %add3A_17, %add3A_95 : i32
      %sub3A_97 = arith.subi %sub3A_68, %add3A_96 : i32
      %mul3A_98 = arith.constant 16 : i32
      %mul3A_99 = arith.muli %select_n3A_94, %mul3A_98 : i32
      %add3A_100 = vector.broadcast %mul3A_99 : i32 to vector<16xi32>
      %add3A_101 = arith.addi %add3A_100, %iota3A : vector<16xi32>
      %add3A_102 = vector.broadcast %sub3A_97 : i32 to vector<16xi32>
      %add3A_103 = arith.addi %add3A_101, %add3A_102 : vector<16xi32>
      %max3A = arith.constant 0 : i32
      %max3A_104 = vector.broadcast %max3A : i32 to vector<16xi32>
      %max3A_105 = arith.maxsi %add3A_103, %max3A_104 : vector<16xi32>
      %gather3A = tpu.vector_load_idx %arg4[%max3A_105] : memref<4112xf32, #tpu.memory_space<vmem>>[vector<16xi32>], vector<16xf32>,
      %gt3A = vector.broadcast %add3A_17 : i32 to vector<16xi32>
      %gt3A_106 = arith.cmpi sgt, %add3A_101, %gt3A : vector<16xi32>
      %jit3A_107 = arith.constant 0.000000e+00 : f32
      %broadcast_in_dim3A_108 = vector.broadcast %jit3A_107 : f32 to vector<16xf32>
      %select_n3A_109 = arith.select %gt3A_106, %gather3A, %broadcast_in_dim3A_108 : vector<16xi1>, vector<16xf32>
      %mul3A_110 = arith.constant 16 : i32
      %mul3A_111 = arith.muli %select_n3A_94, %mul3A_110 : i32
      %add3A_112 = arith.constant 16 : i32
      %add3A_113 = arith.addi %add3A_112, %mul3A_111 : i32
      %swap3A = arith.index_cast %add3A_113 : i32 to index
      %swap3A_114 = tpu.vector_load %arg5[%swap3A] {strides = array<i32>} : memref<4112xf32, #tpu.memory_space<vmem>>, vector<16xf32>,
      tpu.vector_store %arg5[%swap3A], %select_n3A_109 {strides = array<i32>} : memref<4112xf32, #tpu.memory_space<vmem>>, vector<16xf32>,
      %add3A_115 = arith.constant 1 : i32
      %add3A_116 = arith.addi %select_n3A_94, %add3A_115 : i32
      %while3A = arith.constant 0 : i32
      %while3A_117 = arith.constant 256 : i32
      %while3A_118 = arith.subi %while3A_117, %add3A_116 : i32
      %while3A_119 = arith.addi %add3A_116, %while3A_118 : i32
      %while3A_120 = arith.constant 1 : i32
      %while3A_121 = arith.divsi %while3A_118, %while3A_120 : i32
      %while3A_122 = arith.muli %while3A_121, %while3A_120 : i32
      %while3A_123 = arith.addi %add3A_116, %while3A_122 : i32
      %while3A_124 = arith.constant 1 : i32
      scf.for %while3A_128 = %add3A_116 to %while3A_123 step %while3A_124  : i32 {
        %mul3A_129 = arith.constant 16 : i32
        %mul3A_130 = arith.muli %while3A_128, %mul3A_129 : i32
        %add3A_131 = vector.broadcast %mul3A_130 : i32 to vector<16xi32>
        %add3A_132 = arith.addi %add3A_131, %iota3A : vector<16xi32>
        %add3A_133 = vector.broadcast %sub3A_97 : i32 to vector<16xi32>
        %add3A_134 = arith.addi %add3A_132, %add3A_133 : vector<16xi32>
        %gather3A_135 = tpu.vector_load_idx %arg4[%add3A_134] : memref<4112xf32, #tpu.memory_space<vmem>>[vector<16xi32>], vector<16xf32>,
        %mul3A_136 = arith.constant 16 : i32
        %mul3A_137 = arith.muli %while3A_128, %mul3A_136 : i32
        %add3A_138 = arith.constant 16 : i32
        %add3A_139 = arith.addi %add3A_138, %mul3A_137 : i32
        %swap3A_140 = arith.index_cast %add3A_139 : i32 to index
        %swap3A_141 = tpu.vector_load %arg5[%swap3A_140] {strides = array<i32>} : memref<4112xf32, #tpu.memory_space<vmem>>, vector<16xf32>,
        tpu.vector_store %arg5[%swap3A_140], %gather3A_135 {strides = array<i32>} : memref<4112xf32, #tpu.memory_space<vmem>>, vector<16xf32>,
      }
      %while3A_125 = arith.constant 1 : i32
      scf.for %while3A_128 = %while3A_123 to %while3A_119 step %while3A_125  : i32 {
        %mul3A_129 = arith.constant 16 : i32
        %mul3A_130 = arith.muli %while3A_128, %mul3A_129 : i32
        %add3A_131 = vector.broadcast %mul3A_130 : i32 to vector<16xi32>
        %add3A_132 = arith.addi %add3A_131, %iota3A : vector<16xi32>
        %add3A_133 = vector.broadcast %sub3A_97 : i32 to vector<16xi32>
        %add3A_134 = arith.addi %add3A_132, %add3A_133 : vector<16xi32>
        %gather3A_135 = tpu.vector_load_idx %arg4[%add3A_134] : memref<4112xf32, #tpu.memory_space<vmem>>[vector<16xi32>], vector<16xf32>,
        %mul3A_136 = arith.constant 16 : i32
        %mul3A_137 = arith.muli %while3A_128, %mul3A_136 : i32
        %add3A_138 = arith.constant 16 : i32
        %add3A_139 = arith.addi %add3A_138, %mul3A_137 : i32
        %swap3A_140 = arith.index_cast %add3A_139 : i32 to index
        %swap3A_141 = tpu.vector_load %arg5[%swap3A_140] {strides = array<i32>} : memref<4112xf32, #tpu.memory_space<vmem>>, vector<16xf32>,
        tpu.vector_store %arg5[%swap3A_140], %gather3A_135 {strides = array<i32>} : memref<4112xf32, #tpu.memory_space<vmem>>, vector<16xf32>,
      }
      %mul3A_126 = arith.constant 4096 : i32
      %mul3A_127 = arith.muli %add3A_17, %mul3A_126 : i32
      "tpu.region"() ({
        %run_scoped3A = tpu.sem_alloc : memref<!tpu.dma_semaphore, #tpu.memory_space<semaphore_mem>>
        %dma_start3A = arith.constant 16 : i32
        %dma_start3A_128 = tpu.memref_slice %arg5[%dma_start3A] : memref<4112xf32, #tpu.memory_space<vmem>> -> memref<4096xf32, #tpu.memory_space<vmem>>
        %dma_start3A_129 = tpu.memref_slice %arg3[%mul3A_127] : memref<16777216xf32, #tpu.memory_space<hbm>> -> memref<4096xf32, #tpu.memory_space<hbm>>
        %dma_start3A_130 = tpu.memref_slice %arg3[%mul3A_127] : memref<16777216xf32, #tpu.memory_space<hbm>> -> memref<4096xf32, #tpu.memory_space<hbm>>
        %dma_start3A_131 = arith.constant 16 : i32
        %dma_start3A_132 = tpu.memref_slice %arg5[%dma_start3A_131] : memref<4112xf32, #tpu.memory_space<vmem>> -> memref<4096xf32, #tpu.memory_space<vmem>>
        tpu.enqueue_dma source(%dma_start3A_132 : memref<4096xf32, #tpu.memory_space<vmem>>) target(%dma_start3A_130 : memref<4096xf32, #tpu.memory_space<hbm>>) target_semaphore(%run_scoped3A : memref<!tpu.dma_semaphore, #tpu.memory_space<semaphore_mem>>)
        %dma_wait3A = arith.constant 16 : i32
        %dma_wait3A_133 = tpu.memref_slice %arg5[%dma_wait3A] : memref<4112xf32, #tpu.memory_space<vmem>> -> memref<4096xf32, #tpu.memory_space<vmem>>
        %dma_wait3A_134 = tpu.memref_slice %arg3[%mul3A_127] : memref<16777216xf32, #tpu.memory_space<hbm>> -> memref<4096xf32, #tpu.memory_space<hbm>>
        %dma_wait3A_135 = tpu.memref_slice %arg3[%mul3A_127] : memref<16777216xf32, #tpu.memory_space<hbm>> -> memref<4096xf32, #tpu.memory_space<hbm>>
        %dma_wait3A_136 = arith.constant 16 : i32
        %dma_wait3A_137 = tpu.memref_slice %arg5[%dma_wait3A_136] : memref<4112xf32, #tpu.memory_space<vmem>> -> memref<4096xf32, #tpu.memory_space<vmem>>
        tpu.wait_dma2 semaphore(%run_scoped3A : memref<!tpu.dma_semaphore, #tpu.memory_space<semaphore_mem>>) src(%dma_wait3A_137 : memref<4096xf32, #tpu.memory_space<vmem>>) dst(%dma_wait3A_135 : memref<4096xf32, #tpu.memory_space<hbm>>)
        tpu.yield
      }) : () -> ()
    }
    %scan3A_12 = arith.constant 128 : i32
    return
  }
}

</mosaic_0001>

<sc_bundles>
// kernel: kernel.3.cloned.1.call-start
scs
__scs_entry_jumppad:
0x0: {  	(pc) =	sbr.rel $0x88, $3  }
0x1: {  	(tag) =	ssettag $0x0;
	lr =	simm.s32 $0x1  }
0x2: {  	[smem:$0x3FA0] =	sst lr;
	_ =	strace $0xD0000000  }
0x3: {  	_ = 	snop  }
0x4: {  	_ = 	snop  }
0x5: {  	_ = 	snop  }
0x6: {  	_ = 	snop  }
0x7: {  	_ = 	snop  }
__scs_overlays_trampoline_lowered:
0x8: {  	[smem:$0x3FAF] =	sst s0  }
0x9: {  	[smem:$0x3FB0] =	sst s1  }
0xa: {  	[smem:$0x3FB1] =	sst s2  }
0xb: {  	[smem:$0x3FB2] =	sst s3  }
0xc: {  	[smem:$0x3FB3] =	sst s4  }
0xd: {  	[smem:$0x3FB4] =	sst s5  }
0xe: {  	[smem:$0x3FB5] =	sst s6  }
0xf: {  	[smem:$0x3FB6] =	sst s7  }
0x10: {  	[smem:$0x3FB7] =	sst s8  }
0x11: {  	[smem:$0x3FB8] =	sst s9;
	s0 =	simm.s32 @!p0 $0x0  }
0x12: {  	s1 =	sld [smem:$0x3F9E];
	s0 =	simm.s32 @p0 $0x1  }
0x13: {  	[smem:$0x3FB9] =	sst s0;
	s0 =	simm.s32 @!p1 $0x0  }
0x14: {  	s2 =	sld [smem:$0x3F9D];
	s0 =	simm.s32 @p1 $0x1  }
0x15: {  	[smem:$0x3FBA] =	sst s0;
	s0 =	simm.s32 @!p2 $0x0  }
0x16: {  	s3 =	sld [smem:$0x3FDB];
	s0 =	simm.s32 @p2 $0x1  }
0x17: {  	s4 =	simm.s32 $0x1BF5;
	[smem:$0x3FBC] =	sst s0  }
0x18: {  	s0 =	sld [smem:$0x3F9F];
	_ =	swait.ge [sflag:s4], $0x0  }
0x19: {  	s7 =	sld [smem:$0x3FA0]  }
0x1a: {  	s8 =	sadd.s32 $0xFFFFE003, lr  }
0x1b: {  	s9 =	sadd.s32 $0xFFFFFEF7, lr;
	s5 =	simm.s32 $0xFFFFFFFF;
	p2 =	slt.u32 s8, $0xFFFFF086  }
0x1c: {  	p1 =	slt.u32 s9, $0xF7A;
	s5 =	simm.s32 @!p2 $0x0  }
0x1d: {  	s5 =	simm.s32 @p1 $0x1;
	p0 =	seq.s32 s7, s2  }
0x1e: {  	s7 =	smul.u32 @!p0 $0xF7A, s2;
	p2 =	seq.s32 @!p0 s5, $0x0  }
0x1f: {  	s9 =	smul.u32 $0xF7A, s1;
	s8 =	simm.s32 @!p0 $0x1BF5;
	p2 =	por !p2, p0  }
0x20: {  	[sflag:s8] =	ssyncset.s32 @!p0 $0xFFFFF086;
	s6 =	sadd.s32 @!p0 s3, s7;
	s7 =	simm.s32 @!p0 $0x108  }
0x21: {  	s3 =	sadd.s32 s3, s9;
	s6 =	sadd.s32 @!p0 $0x88, s6;
	s7 =	simm.s32 @p2 $0x1082  }
0x22: {  	[simem:s7], [sflag:s8] =	dma.local @!p0 [hbm:s6], $0xF7A  }
0x23: {  	s9 =	sor.u32 $0xD0000000, s2;
	s6 =	simm.s32 $0x108;
	_ =	swait.ge @!p0 [sflag:s8], $0x0  }
0x24: {  	s3 =	sadd.s32 $0x88, s3;
	s6 =	simm.s32 @!p1 $0x1082;
	[sflag:s4] =	ssyncset.s32 $0xFFFFF086  }
0x25: {  	[simem:s6], [sflag:s4] =	dma.local [hbm:s3], $0xF7A  }
0x26: {  	[smem:$0x3FA0] =	sst s1;
	(tag) =	ssettag s2;
	_ =	strace s9  }
0x27: {  	s1 =	sld [smem:$0x3FB0]  }
0x28: {  	s2 =	sld [smem:$0x3FB1]  }
0x29: {  	s4 =	sld [smem:$0x3FB3]  }
0x2a: {  	p0 =	seq.s32 s5, $0x0;
	s5 =	sld [smem:$0x3FB4]  }
0x2b: {  	s6 =	sld [smem:$0x3FB5]  }
0x2c: {  	s7 =	sld [smem:$0x3FB6]  }
0x2d: {  	s3 =	simm.s32 $0x108;
	s8 =	sld [smem:$0x3FB7]  }
0x2e: {  	s3 =	simm.s32 @!p0 $0x1082;
	s9 =	sld [smem:$0x3FB8]  }
0x2f: {  	lr =	sadd.s32 s0, s3;
	s0 =	sld [smem:$0x3FAF]  }
0x30: {  	s3 =	sld [smem:$0x3FB2]  }
0x31: {  	[smem:$0x3FBB] =	sst s10  }
0x32: {  	s10 =	sld [smem:$0x3FB9];
	_ =	sdelay $0x3  }
0x33: {  	p0 =	seq.s32 s10, $0x1;
	s10 =	sld [smem:$0x3FBB];
	_ =	sdelay $0x3  }
0x34: {  	[smem:$0x3FBB] =	sst s10  }
0x35: {  	s10 =	sld [smem:$0x3FBA];
	_ =	sdelay $0x3  }
0x36: {  	p1 =	seq.s32 s10, $0x1;
	s10 =	sld [smem:$0x3FBB];
	_ =	sdelay $0x3  }
0x37: {  	[smem:$0x3FBB] =	sst s10  }
0x38: {  	s10 =	sld [smem:$0x3FBC]  }
0x39: {  	_ = 	snop;
	(pc) =	sbr.ind lr, $3  }
0x3a: {  	_ = 	snop  }
0x3b: {  	_ = 	snop  }
0x3c: {  	p2 =	seq.s32 s10, $0x1;
	s10 =	sld [smem:$0x3FBB]  }
0x3d: {  	_ =	shalt  }
0x3e: {  	_ =	shalt  }
0x3f: {  	_ =	shalt  }
0x40: {  	_ =	shalt  }
0x41: {  	_ =	shalt  }
0x42: {  	_ =	shalt  }
0x43: {  	_ =	shalt  }
0x44: {  	_ =	shalt  }
0x45: {  	_ =	shalt  }
0x46: {  	_ =	shalt  }
0x47: {  	_ =	shalt  }
0x48: {  	_ =	shalt  }
0x49: {  	_ =	shalt  }
0x4a: {  	_ =	shalt  }
0x4b: {  	_ =	shalt  }
0x4c: {  	_ =	shalt  }
0x4d: {  	_ =	shalt  }
0x4e: {  	_ =	shalt  }
0x4f: {  	_ =	shalt  }
0x50: {  	_ =	shalt  }
0x51: {  	_ =	shalt  }
0x52: {  	_ =	shalt  }
0x53: {  	_ =	shalt  }
0x54: {  	_ =	shalt  }
0x55: {  	_ =	shalt  }
0x56: {  	_ =	shalt  }
0x57: {  	_ =	shalt  }
0x58: {  	_ =	shalt  }
0x59: {  	_ =	shalt  }
0x5a: {  	_ =	shalt  }
0x5b: {  	_ =	shalt  }
0x5c: {  	_ =	shalt  }
0x5d: {  	_ =	shalt  }
0x5e: {  	_ =	shalt  }
0x5f: {  	_ =	shalt  }
0x60: {  	_ =	shalt  }
0x61: {  	_ =	shalt  }
0x62: {  	_ =	shalt  }
0x63: {  	_ =	shalt  }
0x64: {  	_ =	shalt  }
0x65: {  	_ =	shalt  }
0x66: {  	_ =	shalt  }
0x67: {  	_ =	shalt  }
0x68: {  	_ =	shalt  }
0x69: {  	_ =	shalt  }
0x6a: {  	_ =	shalt  }
0x6b: {  	_ =	shalt  }
0x6c: {  	_ =	shalt  }
0x6d: {  	_ =	shalt  }
0x6e: {  	_ =	shalt  }
0x6f: {  	_ =	shalt  }
0x70: {  	_ =	shalt  }
0x71: {  	_ =	shalt  }
0x72: {  	_ =	shalt  }
0x73: {  	_ =	shalt  }
0x74: {  	_ =	shalt  }
0x75: {  	_ =	shalt  }
0x76: {  	_ =	shalt  }
0x77: {  	_ =	shalt  }
0x78: {  	_ =	shalt  }
0x79: {  	_ =	shalt  }
0x7a: {  	_ =	shalt  }
0x7b: {  	_ =	shalt  }
0x7c: {  	_ =	shalt  }
0x7d: {  	_ =	shalt  }
0x7e: {  	_ =	shalt  }
0x7f: {  	_ =	shalt  }
0x80: {  	_ =	shalt  }
0x81: {  	_ =	shalt  }
0x82: {  	_ =	shalt  }
0x83: {  	_ =	shalt  }
0x84: {  	_ =	shalt  }
0x85: {  	_ =	shalt  }
0x86: {  	_ =	shalt  }
0x87: {  	_ =	shalt  }
.Lfunc_end0:
.L_simem_size_0:
called_computation_lowered:
.L_overlay_start_0:
0x88: {  	s2 =	sld [smem:$0x3FD9]  }
0x89: {  	s3 =	sld [smem:$0x3FFE];
	_ =	sdelay $0x1  }
0x8a: {  	s1 =	srdreg.scid  }
0x8b: {  	s0 =	sand.u32 $0x1, s1  }
0x8c: {  	s17 =	sshll.u32 s0, $0xA;
	s2 =	sadd.s32 s3, s2  }
0x8d: {  	s2 =	sadd.s32 s2, s17  }
0x8e: {  	[smem:$0x3FC7] =	sst s2  }
0x8f: {  	_ = 	snop  }
0x90: {  	s2 =	sld [smem:$0x3FC9];
	(tm) =	ssettm $0x1  }
0x91: {  	s18 =	sld [smem:$0x3FFB];
	_ =	sdelay $0x3  }
0x92: {  	_ =	strace s18  }
0x93: {  	s3 =	sld [smem:$0x3FFC];
	_ =	sdelay $0x3  }
0x94: {  	_ =	strace s3  }
0x95: {  	s3 =	sld [smem:$0x3FFD];
	_ =	sdelay $0x3  }
0x96: {  	_ =	strace s3  }
0x97: {  	_ =	strace $0x8FFFFFFF  }
0x98: {  	s19 =	sld [smem:$0x3FDB];
	_ =	sdelay $0x1  }
0x99: {  	s4 =	simm.s32 $_scs_section_size  }
0x9a: {  	s5 =	simm.s32 $_size__tile_overlayer_lowered;
	s6 =	simm.s32 $_tile_overlayer_lowered  }
0x9b: {  	s22 =	simm.s32 $0x1BFF;
	s21 =	sshll.u32 s6, $0x1;
	s3 =	sadd.s32 s4, s19  }
0x9c: {  	s7 =	simm.s32 $0x0;
	s20 =	sshll.u32 s5, $0x1;
	s5 =	sadd.s32 s21, s3  }
0x9d: {  	[timem:s7], [sflag:s22] =	dma.local [hbm:s5], s20  }
0x9e: {  	_ =	swait.ge [sflag:s22], s20  }
0x9f: {  	s4 =	ssub.s32 $0x0, s20;
	[sflag:s22] =	ssyncset.done $0x0  }
0xa0: {  	[sflag:s22] =	ssyncadd.s32 s4;
	_ =	sdelay $0x1  }
0xa1: {  	s23 =	simm.s32 $0x1B8B  }
0xa2: {  	_ =	swait.ge [sflag:s23], $0x1  }
0xa3: {  	[sflag:s23] =	ssyncset.done $0x0  }
0xa4: {  	s25 =	simm.s32 $0x1B8E;
	s24 =	sld [smem:$0x3FFE];
	[sflag:s23] =	ssyncadd.s32 $0xFFFFFFFF  }
0xa5: {  	s26 =	simm.s32 $execute0_lowered;
	[smem:$0x3FD2] =	sst s25  }
0xa6: {  	s5 =	sshll.u32 s26, $0x1;
	_ =	strace $0x80000046;
	[dreg:$0x1] =	wrdreg $0xFFFFFFFF  }
0xa7: {  	s28 =	simm.s32 $_size_execute0_lowered;
	s3 =	sadd.s32 s3, s5;
	[dreg:$0x0] =	wrdreg $0x0  }
0xa8: {  	s5 =	sshll.u32 s28, $0x1;
	[dreg:$0x2] =	wrdreg s3  }
0xa9: {  	[dreg:$0x3] =	wrdreg s5  }
0xaa: {  	[dreg:$0x4] =	wrdreg $0xC0  }
0xab: {  	_ =	task [dreg:s7], $0x5FFFF  }
0xac: {  	[dreg:$0x1] =	wrdreg $0xFFFFFFFF  }
0xad: {  	[dreg:$0x0] =	wrdreg $0x60  }
0xae: {  	[dreg:$0x2] =	wrdreg s2  }
0xaf: {  	[dreg:$0x3] =	wrdreg s24  }
0xb0: {  	[dreg:$0x4] =	wrdreg $0x9  }
0xb1: {  	_ =	task.clear_ibuf [dreg:s7], $0x5FFFF;
	_ =	strace $0x90000046  }
0xb2: {  	s29 =	simm.s32 $0x9;
	_ =	strace $0x80000048  }
0xb3: {  	_ =	swait.ge [sflag:s29], $0x1  }
0xb4: {  	[sflag:s29] =	ssyncadd.s32 $0xFFFFFFFF  }
0xb5: {  	_ =	strace $0x90000048  }
0xb6: {  	_ =	sfence  }
0xb7: {  	s30 =	sld [smem:$0x0];
	_ =	sdelay $0x2  }
0xb8: {  	s31 =	sshll.u32 s1, $0xD;
	s1 =	sshrl.u32 s1, $0x2  }
0xb9: {  	s3 =	sand.u32 $0x4000, s31;
	s1 =	sadd.s32 s1, s30  }
0xba: {  	s0 =	sor.u32 s3, s0;
	s1 =	sshll.u32 s1, $0x11  }
0xbb: {  	s0 =	sor.u32 s1, s0  }
0xbc: {  	s0 =	sadd.s32 $0x8F2B, s0  }
0xbd: {  	[sflag:s0] =	ssyncadd.remote.s32 $0x1  }
0xbe: {  	_ =	sfence.sel $0xFFFF  }
0xbf: {  	[dreg:$0x0] =	wrdreg $0xFFFFFFFF;
	(pc) =	sbr.abs _section_cstart, $3  }
0xc0: {  	[dreg:$0x1] =	wrdreg $0xFFFFFFFF  }
0xc1: {  	_ =	task.clear_ibuf [dreg:s7], $0x2FFFF;
	_ =	strace $0x9FFFFFFF  }
0xc2: {  	(tm) =	ssettm $0x7FFFFFFF  }
0xc3: {  	_ =	shalt  }
tec
execute0_lowered:
.L_overlay_start_1:
0x0: {  	(tag) =	ssettag $0x1  }
0x1: {  	s1 =	rddreg [dreg:$0x0]  }
0x2: {  	s6 =	rddreg [dreg:$0x1];
	s2 =	srdreg.scid  }
0x3: {  	s0 =	rddreg [dreg:$0x2];
	s4 =	simm.s32 $0x0;
	s9 =	simm.s32 $0x1  }
.Ltmp0:
0x4: {  	s10 =	simm.s32 $0x1090;
	s3 =	sand.u32 $0x1, s2;
	(pc) =	sbr.rel .LBB2_1-.Ltmp0, $4  }
0x5: {  	s11 =	simm.s32 $0x0;
	s2 =	stileid.u32;
	s7 =	ssub.s32 $0x2, s3  }
0x6: {  	[smem:$0x7FF] =	sst s4;
	s5 =	sshll.u32 s2, $0x1;
	s8 =	sshrl.u32 s7, $0x1  }
0x7: {  	s6 =	sadd.s32 $0x400, s6;
	s31 =	sor.u32 s3, s5;
	s7 =	ssub.s32 s7, s8  }
0x8: {  	v0 =	vimm.f32 $0.0e+00;
	v1 =	vlaneseq.u32;
	_ =	strace $0x80000047;
	s8 =	sadd.s32 $0xFE1, s31;
	s7 =	smax.u32 s7, $0x1  }
.LBB2_12:
0x9: {  	s11 =	sadd.s32 $0x1, s11  }
0xa: {  	p0 =	sne.s32 s11, s7  }
.Ltmp1:
0xb: {  	_ = 	snop;
	(pc) =	sbr.rel @!p0 .LBB2_13-.Ltmp1, $1  }
0xc: {  	_ =	sdelay $0x3  }
.LBB2_1:
0xd: {  	s12 =	simm.s32 $0x0  }
.LBB2_2:
0xe: {  	p0 =	sne.s32 s12, $0x4000  }
.Ltmp2:
0xf: {  	_ = 	snop;
	(pc) =	sbr.rel @p0 .LBB2_2-.Ltmp2, $3  }
0x10: {  	_ =	sdelay $0x1  }
0x11: {  	s13 =	sshra.s32 s12, $0x2  }
0x12: {  	s12 =	sadd.s32 $0x40, s12;
	[tilespmem:s13+$0x1080] =	vst v0  }
.Ltmp3:
0x13: {  	(pc) =	sbr.rel .LBB2_4-.Ltmp3, $2  }
0x14: {  	_ =	sdelay $0x2  }
0x15: {  	s12 =	simm.s32 $0x0;
	s13 =	smov.u32 s8  }
.LBB2_6:
0x16: {  	s18 =	smov.u32 s16  }
.LBB2_10:
0x17: {  	s15 =	sadd.s32 @p0 $0x10, s18  }
0x18: {  	s16 =	smov.u32 @p0 s15  }
0x19: {  	[tilespmem:s16+$0x0] =	vst v2  }
.LBB2_11:
0x1a: {  	s12 =	sadd.s32 $0x1, s12  }
0x1b: {  	s14 =	sshrl.u32 s14, $0x3;
	p0 =	sne.s32 s12, $0x80  }
.Ltmp4:
0x1c: {  	s14 =	sadd.s32 s6, s14;
	(pc) =	sbr.rel @!p0 .LBB2_12-.Ltmp4, $4  }
0x1d: {  	[hbm4b:s14+s4] =	stream.linear.scatter [tilespmem:s10], [sflag:$0x1], $0x1000, $0x38;
	[tilespmem:$0x2100] =	vst v63  }
0x1e: {  	_ =	swait.ge [sflag:s9], $0x1000  }
0x1f: {  	[sflag:s9] =	ssyncset.done $0x0  }
0x20: {  	s13 =	sadd.s32 $0xFFFFFFE0, s13;
	[sflag:s9] =	ssyncadd.s32 $0xFFFFF000  }
.LBB2_4:
0x21: {  	s14 =	sshll.u32 s12, $0x5  }
0x22: {  	s14 =	ssub.s32 s5, s14  }
0x23: {  	s15 =	sor.u32 s3, s14  }
0x24: {  	s16 =	sadd.s32 $0xFE0, s15;
	s17 =	sadd.s32 $0xFE1, s15  }
0x25: {  	s29 =	smul.u32 s17, s16;
	_ =	sdelay $0x1  }
0x26: {  	s18 =	sshrl.u32 s29, $0x1F  }
0x27: {  	s18 =	sadd.s32 s18, s29  }
0x28: {  	s14 =	sshll.u32 s16, $0xC;
	s18 =	sshra.s32 s18, $0x1  }
0x29: {  	s18 =	ssub.s32 s14, s18  }
0x2a: {  	p0 =	slt.s32 s18, $0x7FE7F0;
	s19 =	smov.u32 s18  }
0x2b: {  	s19 =	simm.s32 @!p0 $0x7FE7F0  }
0x2c: {  	s20 =	sand.u32 $0x7, s19  }
0x2d: {  	p1 =	slt.s32 s18, $0x1;
	s30 =	sshra.s32 s19, $0x1F;
	p6 =	sne.s32 s20, $0x0  }
0x2e: {  	s20 =	sshrl.u32 s30, $0x1D;
	p0 =	por !p1, !p6  }
0x2f: {  	s19 =	sadd.s32 s20, s19;
	s20 =	simm.s32 $0x1;
	p0 =	por !p0, !p0  }
0x30: {  	s19 =	sshra.s32 s19, $0x3;
	s20 =	simm.s32 @!p0 $0x0  }
0x31: {  	s19 =	ssub.s32 s19, s20  }
0x32: {  	s20 =	sshll.u32 s19, $0x3  }
0x33: {  	s15 =	sadd.s32 s20, s15  }
0x34: {  	s31 =	sand.u32 $0xFFFFFFF0, s17;
	s15 =	ssub.s32 s18, s15  }
0x35: {  	v2 =	vor.u32 s31, v1;
	s15 =	sadd.s32 $0xFFFFF01F, s15  }
0x36: {  	v3 =	vadd.s32 s15, v2  }
0x37: {  	s19 =	sand.u32 $0x1FFFFFFF, s19;
	vm0 =	vgt.s32 v3, $0x0  }
0x38: {  	s19 =	sadd.s32 s1, s19;
	v3 =	vnsel vm0, $0x0, v3  }
0x39: {  	[tilespmem:s4], [sflag:$0x1] =	stream.linear.gather [hbm4b:s19+s4], $0x1010, $0x38;
	[tilespmem:$0x2100] =	vst v63  }
0x3a: {  	_ =	swait.ge [sflag:s9], $0x1010  }
0x3b: {  	[sflag:s9] =	ssyncset.done $0x0  }
0x3c: {  	[sflag:s9] =	ssyncadd.s32 $0xFFFFEFF0  }
0x3d: {  	v3 =	vld.idx.msk [tilespmem:v3+s4+$0x0], $0xffff  }
0x3e: {  	p0 =	sgt.u32 s17, $0xFEF  }
.Ltmp5:
0x3f: {  	_ = 	snop;
	(pc) =	sbr.rel @p0 .LBB2_11-.Ltmp5, $4  }
0x40: {  	_ = 	snop  }
0x41: {  	vm15 =	vgt.s32 v2, s16  }
0x42: {  	v2 =	vnsel vm15, $0x0, v3  }
0x43: {  	[tilespmem:s31+$0x1090] =	vst v2  }
0x44: {  	s16 =	sand.u32 $0xFFFFFFF0, s13  }
0x45: {  	s18 =	sadd.s32 $0x10, s16  }
0x46: {  	s30 =	sshrl.u32 s13, $0x4;
	s16 =	sadd.s32 s15, s18  }
0x47: {  	v2 =	vadd.s32 s16, v1;
	s16 =	sadd.s32 $0xFFFFFFFF, s30  }
0x48: {  	s17 =	sadd.s32 $0x1, s16  }
0x49: {  	p1 =	slt.u32 s17, $0xFE  }
.Ltmp6:
0x4a: {  	_ = 	snop;
	(pc) =	sbr.rel @!p1 .LBB2_6-.Ltmp6, $4  }
0x4b: {  	_ = 	snop  }
0x4c: {  	v2 =	vld.idx.msk [tilespmem:v2+s4+$0x0], $0xffff  }
0x4d: {  	s31 =	sand.u32 $0x3FFFFFF0, s13  }
0x4e: {  	p0 =	por $0x0, $0x0;
	s18 =	sadd.s32 $0x10, s18;
	s16 =	sadd.s32 $0x10A0, s31  }
0x4f: {  	s19 =	sadd.s32 s15, s18  }
0x50: {  	v3 =	vadd.s32 s19, v1  }
0x51: {  	s17 =	sadd.s32 $0x1, s17  }
0x52: {  	p1 =	slt.u32 s17, $0xFE  }
.Ltmp7:
0x53: {  	_ = 	snop;
	(pc) =	sbr.rel @!p1 .LBB2_8-.Ltmp7, $3  }
0x54: {  	[tilespmem:s16+$0x0] =	vst v2  }
0x55: {  	v2 =	vld.idx.msk [tilespmem:v3+s4+$0x0], $0xffff;
	_ =	sdelay $0x1  }
0x56: {  	p0 =	por $0x1, $0x1;
	s19 =	sadd.s32 $0x10, s18;
	s18 =	smov.u32 s16  }
.LBB2_9:
0x57: {  	s20 =	sadd.s32 s15, s19;
	s17 =	sadd.s32 $0x1, s17  }
0x58: {  	v3 =	vadd.s32 s20, v1;
	p1 =	slt.u32 s17, $0xFE  }
.Ltmp8:
0x59: {  	(pc) =	sbr.rel @p1 .LBB2_9-.Ltmp8, $4  }
0x5a: {  	_ = 	snop  }
0x5b: {  	s18 =	sadd.s32 $0x10, s18  }
0x5c: {  	[tilespmem:s18+$0x0] =	vst v2  }
0x5d: {  	s19 =	sadd.s32 $0x10, s19;
	v2 =	vld.idx.msk [tilespmem:v3+s4+$0x0], $0xffff  }
.Ltmp9:
0x5e: {  	_ = 	snop;
	(pc) =	sbr.rel .LBB2_10-.Ltmp9, $1  }
0x5f: {  	_ =	sdelay $0x3  }
.LBB2_8:
.Ltmp10:
0x60: {  	(pc) =	sbr.rel .LBB2_10-.Ltmp10, $2  }
0x61: {  	_ =	sdelay $0x2  }
0x62: {  	s18 =	smov.u32 s16  }
.LBB2_13:
0x63: {  	_ =	sfence.sel $0x180000  }
0x64: {  	[bflag:$0x0] =	sbarrier.arrive $0xFFFF  }
0x65: {  	p0 =	sne.s32 s2, $0x0;
	_ =	strace $0x90000047  }
0x66: {  	s0 =	sadd.s32 @!p0 $0x100000, s0;
	[bflag:$0x2] =	sbarrier.arrive $0xFFFF  }
0x67: {  	[sflag:s0] =	ssyncadd.tile.s32 @!p0 $0x1;
	_ =	shalt  }
.Lfunc_end2:
_tile_overlayer_lowered:
.L_overlay_start_2:
0x68: {  	(tag) =	ssettag $0x2  }
0x69: {  	s0 =	rddreg [dreg:$0x0];
	s2 =	stileid.u32  }
0x6a: {  	s1 =	rddreg [dreg:$0x1];
	p0 =	sne.s32 s2, $0x0  }
0x6b: {  	s3 =	rddreg [dreg:$0x2];
	[bflag:$0x3] =	sbarrier.arrive $0xFFFF;
	s2 =	simm.s32 @!p0 $0x1C01  }
0x6c: {  	[timem:s3], [sflag:s2] =	dma.local @!p0 [hbm:s0], s1  }
0x6d: {  	s0 =	simm.s32 @!p0 $0x1  }
0x6e: {  	_ =	swait.ge @!p0 [sflag:s0], s1  }
0x6f: {  	s1 =	ssub.s32 @!p0 $0x0, s1;
	[sflag:s0] =	ssyncset.done @!p0 $0x0  }
0x70: {  	[sflag:s0] =	ssyncadd.s32 @!p0 s1  }
0x71: {  	[bflag:$0x3] =	sbarrier.arrive $0xFFFF  }
0x72: {  	_ =	shalt  }

</sc_bundles>
